<compile_context>
chip_gen: v7x
topology: tpu7x:2x2x1
jax: 0.10.2.dev20260603
libtpu: 0.0.44.dev20260713+nightly
codegen_flags: <defaults>
</compile_context>

<pallas_src>
import functools

import jax
import jax.numpy as jnp
from jax import lax
from jax.experimental import pallas as pl
from jax.experimental.pallas import tpu as pltpu
from jax.experimental.pallas import tpu_sc as plsc

B, C, T, S = 4, 512, 4096, 12
OS = C * S


_TT = 512


def _convt_body(c_ref, w_ref, b3_ref, g_ref):
    cb = c_ref[0].astype(jnp.bfloat16)
    for s in range(S):
        g = lax.dot_general(
            w_ref[s], cb, (((1,), (0,)), ((), ())),
            preferred_element_type=jnp.float32,
        )
        g_ref[0, s] = g + b3_ref[...]


def _convt(c, Wt, b3):
    return pl.pallas_call(
        _convt_body,
        grid=(B, T // _TT),
        in_specs=[
            pl.BlockSpec((1, C, _TT), lambda b, t: (b, 0, t)),
            pl.BlockSpec((S, C, C), lambda b, t: (0, 0, 0)),
            pl.BlockSpec((C, 1), lambda b, t: (0, 0)),
        ],
        out_specs=pl.BlockSpec((1, S, C, _TT), lambda b, t: (b, 0, 0, t)),
        out_shape=jax.ShapeDtypeStruct((B, S, C, T), jnp.float32),
    )(c, Wt, b3)



_NC, _NS, _L = 2, 16, 16
_NW = _NC * _NS
_TPB = _NW // B
_FPW = C // _TPB
_GRP = 8
_mesh = plsc.VectorSubcoreMesh(core_axis_name="c", subcore_axis_name="s")


@functools.partial(
    pl.kernel,
    mesh=_mesh,
    compiler_params=pltpu.CompilerParams(needs_layout_passes=False),
    out_type=jax.ShapeDtypeStruct((1, B, C, T), jnp.float32),
    scratch_types=[
        pltpu.VMEM((T,), jnp.int32),
        pltpu.VMEM((_GRP, T), jnp.float32),
        pltpu.VMEM((_GRP, T), jnp.float32),
    ],
)
def _zneg(z_hbm, idx_hbm, out_hbm, idx_v, in_v, gat_v):
    wid = lax.axis_index("s") * _NC + lax.axis_index("c")
    b = wid // _TPB
    f0 = (wid % _TPB) * _FPW
    pltpu.sync_copy(idx_hbm.at[b], idx_v)

    def grp_body(g, carry):
        fg = f0 + g * _GRP
        pltpu.sync_copy(z_hbm.at[b, pl.ds(fg, _GRP)], in_v)

        def t_body(j, carry2):
            t0 = j * _L
            iv = idx_v[pl.ds(t0, _L)]
            tv = t0 + lax.iota(jnp.int32, _L)
            iv = jnp.where(iv >= tv, iv + 1, iv)
            for k in range(_GRP):
                kv = jnp.full((_L,), k, jnp.int32)
                gat_v[k, pl.ds(t0, _L)] = plsc.load_gather(in_v, [kv, iv])
            return carry2

        lax.fori_loop(0, T // _L, t_body, 0)
        pltpu.sync_copy(gat_v, out_hbm.at[0, b, pl.ds(fg, _GRP)])
        return carry

    lax.fori_loop(0, _FPW // _GRP, grp_body, 0)




def kernel(c, z, W, b):
    idx = jax.random.randint(jax.random.key(42), (B, T), 0, T - 1,
                             dtype=jnp.int32)
    z_n = _zneg(z, idx)

    Wt = jnp.transpose(W, (2, 1, 0)).astype(jnp.bfloat16)
    b3 = b.reshape(C, 1)
    G = _convt(c, Wt, b3)
    G = lax.optimization_barrier(G)
    c_out = jnp.transpose(G, (0, 2, 3, 1))
    return (z, z_n, c_out)

# --- scband reference (transcript-rebuilt; emitter-appended) ---
"""Pipeline reference for scband-wav2-vec-prediction-11742440588075 (READ-ONLY COPY).

The authoritative reference and input builder live on the scoring server;
editing this copy changes nothing except your own understanding.
"""

import jax, jax.numpy as jnp
import numpy as np


def setup_inputs(seed: int = 0) -> dict:
    key = jax.random.key(seed)
    k1, k2, k3, k4 = jax.random.split(key, 4)
    B, C, T, S = 4, 512, 4096, 12
    c = jax.random.normal(k1, (B, C, T), dtype=jnp.float32)
    z = jax.random.normal(k2, (B, C, T), dtype=jnp.float32)
    # ConvTranspose2d(C, C, (1, S)) weight has torch shape [in=C, out=C, 1, S]; drop the h=1 dim.
    bound = 1.0 / np.sqrt(C * 1 * S)
    W = jax.random.uniform(k3, (C, C, S), dtype=jnp.float32, minval=-bound, maxval=bound)
    b = jax.random.uniform(k4, (C,), dtype=jnp.float32, minval=-bound, maxval=bound)
    return {"c": c, "z": z, "W": W, "b": b}


def _sample_negatives(z):
    # faithful port of Wav2VecPrediction.sample_negatives with n_negatives=1, sample_distance=None
    bsz, fsz, tsz = z.shape
    y = jnp.transpose(z, (1, 0, 2)).reshape(fsz, bsz * tsz)
    high = tsz
    key = jax.random.key(42)
    tszs = jnp.arange(tsz)  # buffered_arange(tsz), n_negatives=1 so no expand needed
    neg_idxs = jax.random.randint(key, (bsz, 1 * tsz), 0, high - 1)
    neg_idxs = jnp.where(neg_idxs >= tszs[None, :], neg_idxs + 1, neg_idxs)
    neg_idxs = neg_idxs + (jnp.arange(bsz) * high)[:, None]
    negs = jnp.take(y, neg_idxs.reshape(-1), axis=1)
    negs = negs.reshape(fsz, bsz, 1, tsz)
    negs = jnp.transpose(negs, (2, 1, 0, 3))  # [n_negatives=1, bsz, fsz, tsz]
    return negs


def reference(c, z, W, b):
    # c: [B, C, T] -> unsqueeze(-1) -> [B, C, T, 1]
    # ConvTranspose2d with kernel (1, S) on a width-1 input: out[b,o,t,s] = sum_i c[b,i,t] * W[i,o,s] + b[o]
    c_out = jnp.einsum('bit,ios->bots', c, W) + b[None, :, None, None]
    z_n = _sample_negatives(z)
    return (z, z_n, c_out)

if __name__ == "__main__":
    import jax
    _d = setup_inputs()
    print(jax.jit(kernel)(*tuple(_d.values())))

</pallas_src>

<mosaic_0001>
#map = affine_map<(d0, d1) -> (0, 0, 0)>
#map1 = affine_map<(d0, d1) -> (0, 0)>
#map2 = affine_map<(d0, d1) -> (0, 0, 0, 0)>
module attributes {stable_mosaic.version = 14 : i64} {
  func.func @_zneg(%arg0: i32, %arg1: i32, %arg2: memref<4x512x4096xf32, #tpu.memory_space<hbm>>, %arg3: memref<4x4096xi32, #tpu.memory_space<hbm>>, %arg4: memref<1x4x512x4096xf32, #tpu.memory_space<hbm>>, %arg5: memref<4096xi32, #tpu.memory_space<vmem>>, %arg6: memref<8x4096xf32, #tpu.memory_space<vmem>>, %arg7: memref<8x4096xf32, #tpu.memory_space<vmem>>) attributes {dimension_semantics = [#tpu.dimension_semantics<core_parallel>, #tpu.dimension_semantics<subcore_parallel>], iteration_bounds = array<i64: 2, 16>, scalar_prefetch = 0 : i64, scratch_operands = 3 : i64, tpu.core_type = #tpu.core_type<sc_vector_subcore>, window_params = [{transform_indices = #map}, {transform_indices = #map1}, {transform_indices = #map2}]} {
    %mul3A = arith.constant 2 : i32
    %mul3A_0 = arith.muli %arg1, %mul3A : i32
    %add3A = arith.addi %mul3A_0, %arg0 : i32
    %jit3A = arith.constant 8 : i32
    %div3A = arith.divsi %add3A, %jit3A : i32
    %sign3A = arith.constant 0 : i32
    %sign3A_1 = arith.cmpi sgt, %add3A, %sign3A : i32
    %sign3A_2 = arith.extui %sign3A_1 : i1 to i32
    %sign3A_3 = arith.constant 0 : i32
    %sign3A_4 = arith.cmpi slt, %add3A, %sign3A_3 : i32
    %sign3A_5 = arith.extui %sign3A_4 : i1 to i32
    %sign3A_6 = arith.subi %sign3A_2, %sign3A_5 : i32
    %sign3A_7 = arith.constant 0 : i32
    %sign3A_8 = arith.cmpi sgt, %jit3A, %sign3A_7 : i32
    %sign3A_9 = arith.extui %sign3A_8 : i1 to i32
    %sign3A_10 = arith.constant 0 : i32
    %sign3A_11 = arith.cmpi slt, %jit3A, %sign3A_10 : i32
    %sign3A_12 = arith.extui %sign3A_11 : i1 to i32
    %sign3A_13 = arith.subi %sign3A_9, %sign3A_12 : i32
    %ne3A = arith.cmpi ne, %sign3A_6, %sign3A_13 : i32
    %rem3A = arith.remsi %add3A, %jit3A : i32
    %ne3A_14 = arith.constant 0 : i32
    %ne3A_15 = arith.cmpi ne, %rem3A, %ne3A_14 : i32
    %and3A = arith.andi %ne3A, %ne3A_15 : i1
    %sub3A = arith.constant 1 : i32
    %sub3A_16 = arith.subi %div3A, %sub3A : i32
    %select_n3A = arith.select %and3A, %sub3A_16, %div3A : i32
    %jit3A_17 = arith.constant 8 : i32
    %eq3A = arith.constant 0 : i32
    %eq3A_18 = arith.cmpi eq, %jit3A_17, %eq3A : i32
    %jit3A_19 = arith.constant 1 : i32
    %select_n3A_20 = arith.select %eq3A_18, %jit3A_19, %jit3A_17 : i32
    %rem3A_21 = arith.remsi %add3A, %select_n3A_20 : i32
    %ne3A_22 = arith.constant 0 : i32
    %ne3A_23 = arith.cmpi ne, %rem3A_21, %ne3A_22 : i32
    %lt3A = arith.constant 0 : i32
    %lt3A_24 = arith.cmpi slt, %rem3A_21, %lt3A : i32
    %lt3A_25 = arith.constant 0 : i32
    %lt3A_26 = arith.cmpi slt, %select_n3A_20, %lt3A_25 : i32
    %ne3A_27 = arith.xori %lt3A_24, %lt3A_26 : i1
    %and3A_28 = arith.andi %ne3A_27, %ne3A_23 : i1
    %add3A_29 = arith.addi %rem3A_21, %select_n3A_20 : i32
    %select_n3A_30 = arith.select %and3A_28, %add3A_29, %rem3A_21 : i32
    %mul3A_31 = arith.constant 64 : i32
    %mul3A_32 = arith.muli %select_n3A_30, %mul3A_31 : i32
    "tpu.region"() ({
      %run_scoped3A = tpu.sem_alloc : memref<!tpu.dma_semaphore, #tpu.memory_space<semaphore_mem>>
      %dma_start3A = arith.constant 0 : i32
      %dma_start3A_38 = tpu.memref_slice %arg3[%select_n3A, %dma_start3A] : memref<4x4096xi32, #tpu.memory_space<hbm>> -> memref<1x4096xi32, #tpu.memory_space<hbm>>
      %dma_start3A_39 = tpu.memref_squeeze %dma_start3A_38 : memref<1x4096xi32, #tpu.memory_space<hbm>> -> memref<4096xi32, #tpu.memory_space<hbm>>
      %dma_start3A_40 = arith.constant 0 : i32
      %dma_start3A_41 = tpu.memref_slice %arg3[%select_n3A, %dma_start3A_40] : memref<4x4096xi32, #tpu.memory_space<hbm>> -> memref<1x4096xi32, #tpu.memory_space<hbm>>
      %dma_start3A_42 = tpu.memref_squeeze %dma_start3A_41 : memref<1x4096xi32, #tpu.memory_space<hbm>> -> memref<4096xi32, #tpu.memory_space<hbm>>
      tpu.enqueue_dma source(%dma_start3A_42 : memref<4096xi32, #tpu.memory_space<hbm>>) target(%arg5 : memref<4096xi32, #tpu.memory_space<vmem>>) target_semaphore(%run_scoped3A : memref<!tpu.dma_semaphore, #tpu.memory_space<semaphore_mem>>)
      %dma_wait3A = arith.constant 0 : i32
      %dma_wait3A_43 = tpu.memref_slice %arg3[%select_n3A, %dma_wait3A] : memref<4x4096xi32, #tpu.memory_space<hbm>> -> memref<1x4096xi32, #tpu.memory_space<hbm>>
      %dma_wait3A_44 = tpu.memref_squeeze %dma_wait3A_43 : memref<1x4096xi32, #tpu.memory_space<hbm>> -> memref<4096xi32, #tpu.memory_space<hbm>>
      %dma_wait3A_45 = arith.constant 0 : i32
      %dma_wait3A_46 = tpu.memref_slice %arg3[%select_n3A, %dma_wait3A_45] : memref<4x4096xi32, #tpu.memory_space<hbm>> -> memref<1x4096xi32, #tpu.memory_space<hbm>>
      %dma_wait3A_47 = tpu.memref_squeeze %dma_wait3A_46 : memref<1x4096xi32, #tpu.memory_space<hbm>> -> memref<4096xi32, #tpu.memory_space<hbm>>
      tpu.wait_dma2 semaphore(%run_scoped3A : memref<!tpu.dma_semaphore, #tpu.memory_space<semaphore_mem>>) src(%dma_wait3A_47 : memref<4096xi32, #tpu.memory_space<hbm>>) dst(%arg5 : memref<4096xi32, #tpu.memory_space<vmem>>)
      tpu.yield
    }) : () -> ()
    %scan3A = arith.constant 0 : i32
    %scan3A_33 = arith.constant 0 : i32
    %scan3A_34 = arith.constant 8 : i32
    %scan3A_35 = arith.addi %scan3A_33, %scan3A_34 : i32
    %scan3A_36 = arith.constant 1 : i32
    scf.for %scan3A_38 = %scan3A_33 to %scan3A_35 step %scan3A_36  : i32 {
      %mul3A_39 = arith.constant 8 : i32
      %mul3A_40 = arith.muli %scan3A_38, %mul3A_39 : i32
      %add3A_41 = arith.addi %mul3A_32, %mul3A_40 : i32
      "tpu.region"() ({
        %run_scoped3A_48 = tpu.sem_alloc : memref<!tpu.dma_semaphore, #tpu.memory_space<semaphore_mem>>
        %dma_start3A = arith.constant 0 : i32
        %dma_start3A_49 = tpu.memref_slice %arg2[%select_n3A, %add3A_41, %dma_start3A] : memref<4x512x4096xf32, #tpu.memory_space<hbm>> -> memref<1x8x4096xf32, #tpu.memory_space<hbm>>
        %dma_start3A_50 = tpu.memref_squeeze %dma_start3A_49 : memref<1x8x4096xf32, #tpu.memory_space<hbm>> -> memref<8x4096xf32, #tpu.memory_space<hbm>>
        %dma_start3A_51 = arith.constant 0 : i32
        %dma_start3A_52 = tpu.memref_slice %arg2[%select_n3A, %add3A_41, %dma_start3A_51] : memref<4x512x4096xf32, #tpu.memory_space<hbm>> -> memref<1x8x4096xf32, #tpu.memory_space<hbm>>
        %dma_start3A_53 = tpu.memref_squeeze %dma_start3A_52 : memref<1x8x4096xf32, #tpu.memory_space<hbm>> -> memref<8x4096xf32, #tpu.memory_space<hbm>>
        tpu.enqueue_dma source(%dma_start3A_53 : memref<8x4096xf32, #tpu.memory_space<hbm>>) target(%arg6 : memref<8x4096xf32, #tpu.memory_space<vmem>>) target_semaphore(%run_scoped3A_48 : memref<!tpu.dma_semaphore, #tpu.memory_space<semaphore_mem>>)
        %dma_wait3A = arith.constant 0 : i32
        %dma_wait3A_54 = tpu.memref_slice %arg2[%select_n3A, %add3A_41, %dma_wait3A] : memref<4x512x4096xf32, #tpu.memory_space<hbm>> -> memref<1x8x4096xf32, #tpu.memory_space<hbm>>
        %dma_wait3A_55 = tpu.memref_squeeze %dma_wait3A_54 : memref<1x8x4096xf32, #tpu.memory_space<hbm>> -> memref<8x4096xf32, #tpu.memory_space<hbm>>
        %dma_wait3A_56 = arith.constant 0 : i32
        %dma_wait3A_57 = tpu.memref_slice %arg2[%select_n3A, %add3A_41, %dma_wait3A_56] : memref<4x512x4096xf32, #tpu.memory_space<hbm>> -> memref<1x8x4096xf32, #tpu.memory_space<hbm>>
        %dma_wait3A_58 = tpu.memref_squeeze %dma_wait3A_57 : memref<1x8x4096xf32, #tpu.memory_space<hbm>> -> memref<8x4096xf32, #tpu.memory_space<hbm>>
        tpu.wait_dma2 semaphore(%run_scoped3A_48 : memref<!tpu.dma_semaphore, #tpu.memory_space<semaphore_mem>>) src(%dma_wait3A_58 : memref<8x4096xf32, #tpu.memory_space<hbm>>) dst(%arg6 : memref<8x4096xf32, #tpu.memory_space<vmem>>)
        tpu.yield
      }) : () -> ()
      %scan3A_42 = arith.constant 0 : i32
      %scan3A_43 = arith.constant 0 : i32
      %scan3A_44 = arith.constant 256 : i32
      %scan3A_45 = arith.addi %scan3A_43, %scan3A_44 : i32
      %scan3A_46 = arith.constant 1 : i32
      scf.for %scan3A_48 = %scan3A_43 to %scan3A_45 step %scan3A_46  : i32 {
        %mul3A_49 = arith.constant 16 : i32
        %mul3A_50 = arith.muli %scan3A_48, %mul3A_49 : i32
        %get3A = arith.index_cast %mul3A_50 : i32 to index
        %get3A_51 = tpu.vector_load %arg5[%get3A] {strides = array<i32>} : memref<4096xi32, #tpu.memory_space<vmem>>, vector<16xi32>,
        %iota3A = tpu.iota {dimensions = array<i32: 0>} : vector<16xi32>
        %add3A_52 = vector.broadcast %mul3A_50 : i32 to vector<16xi32>
        %add3A_53 = arith.addi %add3A_52, %iota3A : vector<16xi32>
        %ge3A = arith.cmpi sge, %get3A_51, %add3A_53 : vector<16xi32>
        %add3A_54 = arith.constant 1 : i32
        %add3A_55 = vector.broadcast %add3A_54 : i32 to vector<16xi32>
        %add3A_56 = arith.addi %get3A_51, %add3A_55 : vector<16xi32>
        %select_n3A_57 = arith.select %ge3A, %add3A_56, %get3A_51 : vector<16xi1>, vector<16xi32>
        %broadcast_in_dim3A = arith.constant 0 : i32
        %broadcast_in_dim3A_58 = vector.broadcast %broadcast_in_dim3A : i32 to vector<16xi32>
        %gather3A = tpu.vector_load_idx %arg6[%broadcast_in_dim3A_58, %select_n3A_57] : memref<8x4096xf32, #tpu.memory_space<vmem>>[vector<16xi32>, vector<16xi32>], vector<16xf32>,
        %swap3A = arith.constant 0 : i32
        %swap3A_59 = arith.index_cast %swap3A : i32 to index
        %swap3A_60 = arith.index_cast %mul3A_50 : i32 to index
        %swap3A_61 = tpu.vector_load %arg7[%swap3A_59, %swap3A_60] {strides = array<i32>} : memref<8x4096xf32, #tpu.memory_space<vmem>>, vector<16xf32>,
        tpu.vector_store %arg7[%swap3A_59, %swap3A_60], %gather3A {strides = array<i32>} : memref<8x4096xf32, #tpu.memory_space<vmem>>, vector<16xf32>,
        %broadcast_in_dim3A_62 = arith.constant 1 : i32
        %broadcast_in_dim3A_63 = vector.broadcast %broadcast_in_dim3A_62 : i32 to vector<16xi32>
        %gather3A_64 = tpu.vector_load_idx %arg6[%broadcast_in_dim3A_63, %select_n3A_57] : memref<8x4096xf32, #tpu.memory_space<vmem>>[vector<16xi32>, vector<16xi32>], vector<16xf32>,
        %swap3A_65 = arith.constant 1 : i32
        %swap3A_66 = arith.index_cast %swap3A_65 : i32 to index
        %swap3A_67 = arith.index_cast %mul3A_50 : i32 to index
        %swap3A_68 = tpu.vector_load %arg7[%swap3A_66, %swap3A_67] {strides = array<i32>} : memref<8x4096xf32, #tpu.memory_space<vmem>>, vector<16xf32>,
        tpu.vector_store %arg7[%swap3A_66, %swap3A_67], %gather3A_64 {strides = array<i32>} : memref<8x4096xf32, #tpu.memory_space<vmem>>, vector<16xf32>,
        %broadcast_in_dim3A_69 = arith.constant 2 : i32
        %broadcast_in_dim3A_70 = vector.broadcast %broadcast_in_dim3A_69 : i32 to vector<16xi32>
        %gather3A_71 = tpu.vector_load_idx %arg6[%broadcast_in_dim3A_70, %select_n3A_57] : memref<8x4096xf32, #tpu.memory_space<vmem>>[vector<16xi32>, vector<16xi32>], vector<16xf32>,
        %swap3A_72 = arith.constant 2 : i32
        %swap3A_73 = arith.index_cast %swap3A_72 : i32 to index
        %swap3A_74 = arith.index_cast %mul3A_50 : i32 to index
        %swap3A_75 = tpu.vector_load %arg7[%swap3A_73, %swap3A_74] {strides = array<i32>} : memref<8x4096xf32, #tpu.memory_space<vmem>>, vector<16xf32>,
        tpu.vector_store %arg7[%swap3A_73, %swap3A_74], %gather3A_71 {strides = array<i32>} : memref<8x4096xf32, #tpu.memory_space<vmem>>, vector<16xf32>,
        %broadcast_in_dim3A_76 = arith.constant 3 : i32
        %broadcast_in_dim3A_77 = vector.broadcast %broadcast_in_dim3A_76 : i32 to vector<16xi32>
        %gather3A_78 = tpu.vector_load_idx %arg6[%broadcast_in_dim3A_77, %select_n3A_57] : memref<8x4096xf32, #tpu.memory_space<vmem>>[vector<16xi32>, vector<16xi32>], vector<16xf32>,
        %swap3A_79 = arith.constant 3 : i32
        %swap3A_80 = arith.index_cast %swap3A_79 : i32 to index
        %swap3A_81 = arith.index_cast %mul3A_50 : i32 to index
        %swap3A_82 = tpu.vector_load %arg7[%swap3A_80, %swap3A_81] {strides = array<i32>} : memref<8x4096xf32, #tpu.memory_space<vmem>>, vector<16xf32>,
        tpu.vector_store %arg7[%swap3A_80, %swap3A_81], %gather3A_78 {strides = array<i32>} : memref<8x4096xf32, #tpu.memory_space<vmem>>, vector<16xf32>,
        %broadcast_in_dim3A_83 = arith.constant 4 : i32
        %broadcast_in_dim3A_84 = vector.broadcast %broadcast_in_dim3A_83 : i32 to vector<16xi32>
        %gather3A_85 = tpu.vector_load_idx %arg6[%broadcast_in_dim3A_84, %select_n3A_57] : memref<8x4096xf32, #tpu.memory_space<vmem>>[vector<16xi32>, vector<16xi32>], vector<16xf32>,
        %swap3A_86 = arith.constant 4 : i32
        %swap3A_87 = arith.index_cast %swap3A_86 : i32 to index
        %swap3A_88 = arith.index_cast %mul3A_50 : i32 to index
        %swap3A_89 = tpu.vector_load %arg7[%swap3A_87, %swap3A_88] {strides = array<i32>} : memref<8x4096xf32, #tpu.memory_space<vmem>>, vector<16xf32>,
        tpu.vector_store %arg7[%swap3A_87, %swap3A_88], %gather3A_85 {strides = array<i32>} : memref<8x4096xf32, #tpu.memory_space<vmem>>, vector<16xf32>,
        %broadcast_in_dim3A_90 = arith.constant 5 : i32
        %broadcast_in_dim3A_91 = vector.broadcast %broadcast_in_dim3A_90 : i32 to vector<16xi32>
        %gather3A_92 = tpu.vector_load_idx %arg6[%broadcast_in_dim3A_91, %select_n3A_57] : memref<8x4096xf32, #tpu.memory_space<vmem>>[vector<16xi32>, vector<16xi32>], vector<16xf32>,
        %swap3A_93 = arith.constant 5 : i32
        %swap3A_94 = arith.index_cast %swap3A_93 : i32 to index
        %swap3A_95 = arith.index_cast %mul3A_50 : i32 to index
        %swap3A_96 = tpu.vector_load %arg7[%swap3A_94, %swap3A_95] {strides = array<i32>} : memref<8x4096xf32, #tpu.memory_space<vmem>>, vector<16xf32>,
        tpu.vector_store %arg7[%swap3A_94, %swap3A_95], %gather3A_92 {strides = array<i32>} : memref<8x4096xf32, #tpu.memory_space<vmem>>, vector<16xf32>,
        %broadcast_in_dim3A_97 = arith.constant 6 : i32
        %broadcast_in_dim3A_98 = vector.broadcast %broadcast_in_dim3A_97 : i32 to vector<16xi32>
        %gather3A_99 = tpu.vector_load_idx %arg6[%broadcast_in_dim3A_98, %select_n3A_57] : memref<8x4096xf32, #tpu.memory_space<vmem>>[vector<16xi32>, vector<16xi32>], vector<16xf32>,
        %swap3A_100 = arith.constant 6 : i32
        %swap3A_101 = arith.index_cast %swap3A_100 : i32 to index
        %swap3A_102 = arith.index_cast %mul3A_50 : i32 to index
        %swap3A_103 = tpu.vector_load %arg7[%swap3A_101, %swap3A_102] {strides = array<i32>} : memref<8x4096xf32, #tpu.memory_space<vmem>>, vector<16xf32>,
        tpu.vector_store %arg7[%swap3A_101, %swap3A_102], %gather3A_99 {strides = array<i32>} : memref<8x4096xf32, #tpu.memory_space<vmem>>, vector<16xf32>,
        %broadcast_in_dim3A_104 = arith.constant 7 : i32
        %broadcast_in_dim3A_105 = vector.broadcast %broadcast_in_dim3A_104 : i32 to vector<16xi32>
        %gather3A_106 = tpu.vector_load_idx %arg6[%broadcast_in_dim3A_105, %select_n3A_57] : memref<8x4096xf32, #tpu.memory_space<vmem>>[vector<16xi32>, vector<16xi32>], vector<16xf32>,
        %swap3A_107 = arith.constant 7 : i32
        %swap3A_108 = arith.index_cast %swap3A_107 : i32 to index
        %swap3A_109 = arith.index_cast %mul3A_50 : i32 to index
        %swap3A_110 = tpu.vector_load %arg7[%swap3A_108, %swap3A_109] {strides = array<i32>} : memref<8x4096xf32, #tpu.memory_space<vmem>>, vector<16xf32>,
        tpu.vector_store %arg7[%swap3A_108, %swap3A_109], %gather3A_106 {strides = array<i32>} : memref<8x4096xf32, #tpu.memory_space<vmem>>, vector<16xf32>,
      }
      %scan3A_47 = arith.constant 256 : i32
      %run_scoped3A = arith.constant 0 : i32
      "tpu.region"() ({
        %run_scoped3A_48 = tpu.sem_alloc : memref<!tpu.dma_semaphore, #tpu.memory_space<semaphore_mem>>
        %dma_start3A = arith.constant 0 : i32
        %dma_start3A_49 = tpu.memref_slice %arg4[%run_scoped3A, %select_n3A, %add3A_41, %dma_start3A] : memref<1x4x512x4096xf32, #tpu.memory_space<hbm>> -> memref<1x1x8x4096xf32, #tpu.memory_space<hbm>>
        %dma_start3A_50 = tpu.memref_squeeze %dma_start3A_49 : memref<1x1x8x4096xf32, #tpu.memory_space<hbm>> -> memref<8x4096xf32, #tpu.memory_space<hbm>>
        %dma_start3A_51 = arith.constant 0 : i32
        %dma_start3A_52 = tpu.memref_slice %arg4[%run_scoped3A, %select_n3A, %add3A_41, %dma_start3A_51] : memref<1x4x512x4096xf32, #tpu.memory_space<hbm>> -> memref<1x1x8x4096xf32, #tpu.memory_space<hbm>>
        %dma_start3A_53 = tpu.memref_squeeze %dma_start3A_52 : memref<1x1x8x4096xf32, #tpu.memory_space<hbm>> -> memref<8x4096xf32, #tpu.memory_space<hbm>>
        tpu.enqueue_dma source(%arg7 : memref<8x4096xf32, #tpu.memory_space<vmem>>) target(%dma_start3A_53 : memref<8x4096xf32, #tpu.memory_space<hbm>>) target_semaphore(%run_scoped3A_48 : memref<!tpu.dma_semaphore, #tpu.memory_space<semaphore_mem>>)
        %dma_wait3A = arith.constant 0 : i32
        %dma_wait3A_54 = tpu.memref_slice %arg4[%run_scoped3A, %select_n3A, %add3A_41, %dma_wait3A] : memref<1x4x512x4096xf32, #tpu.memory_space<hbm>> -> memref<1x1x8x4096xf32, #tpu.memory_space<hbm>>
        %dma_wait3A_55 = tpu.memref_squeeze %dma_wait3A_54 : memref<1x1x8x4096xf32, #tpu.memory_space<hbm>> -> memref<8x4096xf32, #tpu.memory_space<hbm>>
        %dma_wait3A_56 = arith.constant 0 : i32
        %dma_wait3A_57 = tpu.memref_slice %arg4[%run_scoped3A, %select_n3A, %add3A_41, %dma_wait3A_56] : memref<1x4x512x4096xf32, #tpu.memory_space<hbm>> -> memref<1x1x8x4096xf32, #tpu.memory_space<hbm>>
        %dma_wait3A_58 = tpu.memref_squeeze %dma_wait3A_57 : memref<1x1x8x4096xf32, #tpu.memory_space<hbm>> -> memref<8x4096xf32, #tpu.memory_space<hbm>>
        tpu.wait_dma2 semaphore(%run_scoped3A_48 : memref<!tpu.dma_semaphore, #tpu.memory_space<semaphore_mem>>) src(%arg7 : memref<8x4096xf32, #tpu.memory_space<vmem>>) dst(%dma_wait3A_58 : memref<8x4096xf32, #tpu.memory_space<hbm>>)
        tpu.yield
      }) : () -> ()
    }
    %scan3A_37 = arith.constant 8 : i32
    return
  }
}

module attributes {stable_mosaic.version = 14 : i64} {
  func.func @_convt_body(%arg0: i32, %arg1: i32, %arg2: memref<1x512x512xf32, #tpu.memory_space<vmem>>, %arg3: memref<12x512x512xbf16, #tpu.memory_space<vmem>>, %arg4: memref<512x1xf32, #tpu.memory_space<vmem>>, %arg5: memref<1x12x512x512xf32, #tpu.memory_space<vmem>>) attributes {dimension_semantics = [#tpu.dimension_semantics<arbitrary>, #tpu.dimension_semantics<arbitrary>], iteration_bounds = array<i64: 4, 8>, scalar_prefetch = 0 : i64, scratch_operands = 0 : i64, tpu.core_type = #tpu.core_type<tc>, window_params = [{transform_indices = @transform_0, window_bounds = array<i64: 1, 512, 512>}, {pipeline_mode = #tpu.pipeline_mode<synchronous>, transform_indices = @transform_1, window_bounds = array<i64: 12, 512, 512>}, {pipeline_mode = #tpu.pipeline_mode<synchronous>, transform_indices = @transform_2, window_bounds = array<i64: 512, 1>}, {transform_indices = @transform_3, window_bounds = array<i64: 1, 12, 512, 512>}]} {
    %get3A = arith.constant 0 : index
    %get3A_0 = arith.constant 0 : index
    %get3A_1 = arith.constant 0 : index
    %get3A_2 = vector.load %arg2[%get3A, %get3A_0, %get3A_1] : memref<1x512x512xf32, #tpu.memory_space<vmem>>, vector<1x512x512xf32>
    %get3A_3 = vector.shape_cast %get3A_2 : vector<1x512x512xf32> to vector<512x512xf32>
    %convert_element_type3A = arith.truncf %get3A_3 : vector<512x512xf32> to vector<512x512xbf16>
    %get3A_4 = arith.constant 0 : index
    %get3A_5 = arith.constant 0 : index
    %get3A_6 = arith.constant 0 : index
    %get3A_7 = vector.load %arg3[%get3A_4, %get3A_5, %get3A_6] : memref<12x512x512xbf16, #tpu.memory_space<vmem>>, vector<1x512x512xbf16>
    %get3A_8 = vector.shape_cast %get3A_7 : vector<1x512x512xbf16> to vector<512x512xbf16>
    %dot_general3A = arith.constant dense<0.000000e+00> : vector<512x512xf32>
    %dot_general3A_9 = tpu.matmul %get3A_8, %convert_element_type3A, %dot_general3A {dimension_numbers = #tpu.dot_dimension_numbers<[1], [0], [0], [1], [0, 0, 1, 1], [], []>, transpose_lhs_hint = false} : vector<512x512xbf16>, vector<512x512xbf16>, vector<512x512xf32> -> vector<512x512xf32>
    %get3A_10 = arith.constant 0 : index
    %get3A_11 = arith.constant 0 : index
    %get3A_12 = vector.load %arg4[%get3A_10, %get3A_11] : memref<512x1xf32, #tpu.memory_space<vmem>>, vector<512x1xf32>
    %add3A = vector.broadcast %get3A_12 : vector<512x1xf32> to vector<512x512xf32>
    %add3A_13 = arith.addf %dot_general3A_9, %add3A : vector<512x512xf32>
    %swap3A = arith.constant 0 : index
    %swap3A_14 = arith.constant 0 : index
    %swap3A_15 = arith.constant 0 : index
    %swap3A_16 = arith.constant 0 : index
    %swap3A_17 = vector.load %arg5[%swap3A, %swap3A_14, %swap3A_15, %swap3A_16] : memref<1x12x512x512xf32, #tpu.memory_space<vmem>>, vector<1x1x512x512xf32>
    %swap3A_18 = vector.shape_cast %swap3A_17 : vector<1x1x512x512xf32> to vector<512x512xf32>
    %swap3A_19 = vector.shape_cast %add3A_13 : vector<512x512xf32> to vector<1x1x512x512xf32>
    tpu.vector_store %arg5[%swap3A, %swap3A_14, %swap3A_15, %swap3A_16], %swap3A_19 {strides = array<i32>} : memref<1x12x512x512xf32, #tpu.memory_space<vmem>>, vector<1x1x512x512xf32>,
    %get3A_20 = arith.constant 1 : index
    %get3A_21 = arith.constant 0 : index
    %get3A_22 = arith.constant 0 : index
    %get3A_23 = vector.load %arg3[%get3A_20, %get3A_21, %get3A_22] : memref<12x512x512xbf16, #tpu.memory_space<vmem>>, vector<1x512x512xbf16>
    %get3A_24 = vector.shape_cast %get3A_23 : vector<1x512x512xbf16> to vector<512x512xbf16>
    %dot_general3A_25 = arith.constant dense<0.000000e+00> : vector<512x512xf32>
    %dot_general3A_26 = tpu.matmul %get3A_24, %convert_element_type3A, %dot_general3A_25 {dimension_numbers = #tpu.dot_dimension_numbers<[1], [0], [0], [1], [0, 0, 1, 1], [], []>, transpose_lhs_hint = false} : vector<512x512xbf16>, vector<512x512xbf16>, vector<512x512xf32> -> vector<512x512xf32>
    %get3A_27 = arith.constant 0 : index
    %get3A_28 = arith.constant 0 : index
    %get3A_29 = vector.load %arg4[%get3A_27, %get3A_28] : memref<512x1xf32, #tpu.memory_space<vmem>>, vector<512x1xf32>
    %add3A_30 = vector.broadcast %get3A_29 : vector<512x1xf32> to vector<512x512xf32>
    %add3A_31 = arith.addf %dot_general3A_26, %add3A_30 : vector<512x512xf32>
    %swap3A_32 = arith.constant 0 : index
    %swap3A_33 = arith.constant 1 : index
    %swap3A_34 = arith.constant 0 : index
    %swap3A_35 = arith.constant 0 : index
    %swap3A_36 = vector.load %arg5[%swap3A_32, %swap3A_33, %swap3A_34, %swap3A_35] : memref<1x12x512x512xf32, #tpu.memory_space<vmem>>, vector<1x1x512x512xf32>
    %swap3A_37 = vector.shape_cast %swap3A_36 : vector<1x1x512x512xf32> to vector<512x512xf32>
    %swap3A_38 = vector.shape_cast %add3A_31 : vector<512x512xf32> to vector<1x1x512x512xf32>
    tpu.vector_store %arg5[%swap3A_32, %swap3A_33, %swap3A_34, %swap3A_35], %swap3A_38 {strides = array<i32>} : memref<1x12x512x512xf32, #tpu.memory_space<vmem>>, vector<1x1x512x512xf32>,
    %get3A_39 = arith.constant 2 : index
    %get3A_40 = arith.constant 0 : index
    %get3A_41 = arith.constant 0 : index
    %get3A_42 = vector.load %arg3[%get3A_39, %get3A_40, %get3A_41] : memref<12x512x512xbf16, #tpu.memory_space<vmem>>, vector<1x512x512xbf16>
    %get3A_43 = vector.shape_cast %get3A_42 : vector<1x512x512xbf16> to vector<512x512xbf16>
    %dot_general3A_44 = arith.constant dense<0.000000e+00> : vector<512x512xf32>
    %dot_general3A_45 = tpu.matmul %get3A_43, %convert_element_type3A, %dot_general3A_44 {dimension_numbers = #tpu.dot_dimension_numbers<[1], [0], [0], [1], [0, 0, 1, 1], [], []>, transpose_lhs_hint = false} : vector<512x512xbf16>, vector<512x512xbf16>, vector<512x512xf32> -> vector<512x512xf32>
    %get3A_46 = arith.constant 0 : index
    %get3A_47 = arith.constant 0 : index
    %get3A_48 = vector.load %arg4[%get3A_46, %get3A_47] : memref<512x1xf32, #tpu.memory_space<vmem>>, vector<512x1xf32>
    %add3A_49 = vector.broadcast %get3A_48 : vector<512x1xf32> to vector<512x512xf32>
    %add3A_50 = arith.addf %dot_general3A_45, %add3A_49 : vector<512x512xf32>
    %swap3A_51 = arith.constant 0 : index
    %swap3A_52 = arith.constant 2 : index
    %swap3A_53 = arith.constant 0 : index
    %swap3A_54 = arith.constant 0 : index
    %swap3A_55 = vector.load %arg5[%swap3A_51, %swap3A_52, %swap3A_53, %swap3A_54] : memref<1x12x512x512xf32, #tpu.memory_space<vmem>>, vector<1x1x512x512xf32>
    %swap3A_56 = vector.shape_cast %swap3A_55 : vector<1x1x512x512xf32> to vector<512x512xf32>
    %swap3A_57 = vector.shape_cast %add3A_50 : vector<512x512xf32> to vector<1x1x512x512xf32>
    tpu.vector_store %arg5[%swap3A_51, %swap3A_52, %swap3A_53, %swap3A_54], %swap3A_57 {strides = array<i32>} : memref<1x12x512x512xf32, #tpu.memory_space<vmem>>, vector<1x1x512x512xf32>,
    %get3A_58 = arith.constant 3 : index
    %get3A_59 = arith.constant 0 : index
    %get3A_60 = arith.constant 0 : index
    %get3A_61 = vector.load %arg3[%get3A_58, %get3A_59, %get3A_60] : memref<12x512x512xbf16, #tpu.memory_space<vmem>>, vector<1x512x512xbf16>
    %get3A_62 = vector.shape_cast %get3A_61 : vector<1x512x512xbf16> to vector<512x512xbf16>
    %dot_general3A_63 = arith.constant dense<0.000000e+00> : vector<512x512xf32>
    %dot_general3A_64 = tpu.matmul %get3A_62, %convert_element_type3A, %dot_general3A_63 {dimension_numbers = #tpu.dot_dimension_numbers<[1], [0], [0], [1], [0, 0, 1, 1], [], []>, transpose_lhs_hint = false} : vector<512x512xbf16>, vector<512x512xbf16>, vector<512x512xf32> -> vector<512x512xf32>
    %get3A_65 = arith.constant 0 : index
    %get3A_66 = arith.constant 0 : index
    %get3A_67 = vector.load %arg4[%get3A_65, %get3A_66] : memref<512x1xf32, #tpu.memory_space<vmem>>, vector<512x1xf32>
    %add3A_68 = vector.broadcast %get3A_67 : vector<512x1xf32> to vector<512x512xf32>
    %add3A_69 = arith.addf %dot_general3A_64, %add3A_68 : vector<512x512xf32>
    %swap3A_70 = arith.constant 0 : index
    %swap3A_71 = arith.constant 3 : index
    %swap3A_72 = arith.constant 0 : index
    %swap3A_73 = arith.constant 0 : index
    %swap3A_74 = vector.load %arg5[%swap3A_70, %swap3A_71, %swap3A_72, %swap3A_73] : memref<1x12x512x512xf32, #tpu.memory_space<vmem>>, vector<1x1x512x512xf32>
    %swap3A_75 = vector.shape_cast %swap3A_74 : vector<1x1x512x512xf32> to vector<512x512xf32>
    %swap3A_76 = vector.shape_cast %add3A_69 : vector<512x512xf32> to vector<1x1x512x512xf32>
    tpu.vector_store %arg5[%swap3A_70, %swap3A_71, %swap3A_72, %swap3A_73], %swap3A_76 {strides = array<i32>} : memref<1x12x512x512xf32, #tpu.memory_space<vmem>>, vector<1x1x512x512xf32>,
    %get3A_77 = arith.constant 4 : index
    %get3A_78 = arith.constant 0 : index
    %get3A_79 = arith.constant 0 : index
    %get3A_80 = vector.load %arg3[%get3A_77, %get3A_78, %get3A_79] : memref<12x512x512xbf16, #tpu.memory_space<vmem>>, vector<1x512x512xbf16>
    %get3A_81 = vector.shape_cast %get3A_80 : vector<1x512x512xbf16> to vector<512x512xbf16>
    %dot_general3A_82 = arith.constant dense<0.000000e+00> : vector<512x512xf32>
    %dot_general3A_83 = tpu.matmul %get3A_81, %convert_element_type3A, %dot_general3A_82 {dimension_numbers = #tpu.dot_dimension_numbers<[1], [0], [0], [1], [0, 0, 1, 1], [], []>, transpose_lhs_hint = false} : vector<512x512xbf16>, vector<512x512xbf16>, vector<512x512xf32> -> vector<512x512xf32>
    %get3A_84 = arith.constant 0 : index
    %get3A_85 = arith.constant 0 : index
    %get3A_86 = vector.load %arg4[%get3A_84, %get3A_85] : memref<512x1xf32, #tpu.memory_space<vmem>>, vector<512x1xf32>
    %add3A_87 = vector.broadcast %get3A_86 : vector<512x1xf32> to vector<512x512xf32>
    %add3A_88 = arith.addf %dot_general3A_83, %add3A_87 : vector<512x512xf32>
    %swap3A_89 = arith.constant 0 : index
    %swap3A_90 = arith.constant 4 : index
    %swap3A_91 = arith.constant 0 : index
    %swap3A_92 = arith.constant 0 : index
    %swap3A_93 = vector.load %arg5[%swap3A_89, %swap3A_90, %swap3A_91, %swap3A_92] : memref<1x12x512x512xf32, #tpu.memory_space<vmem>>, vector<1x1x512x512xf32>
    %swap3A_94 = vector.shape_cast %swap3A_93 : vector<1x1x512x512xf32> to vector<512x512xf32>
    %swap3A_95 = vector.shape_cast %add3A_88 : vector<512x512xf32> to vector<1x1x512x512xf32>
    tpu.vector_store %arg5[%swap3A_89, %swap3A_90, %swap3A_91, %swap3A_92], %swap3A_95 {strides = array<i32>} : memref<1x12x512x512xf32, #tpu.memory_space<vmem>>, vector<1x1x512x512xf32>,
    %get3A_96 = arith.constant 5 : index
    %get3A_97 = arith.constant 0 : index
    %get3A_98 = arith.constant 0 : index
    %get3A_99 = vector.load %arg3[%get3A_96, %get3A_97, %get3A_98] : memref<12x512x512xbf16, #tpu.memory_space<vmem>>, vector<1x512x512xbf16>
    %get3A_100 = vector.shape_cast %get3A_99 : vector<1x512x512xbf16> to vector<512x512xbf16>
    %dot_general3A_101 = arith.constant dense<0.000000e+00> : vector<512x512xf32>
    %dot_general3A_102 = tpu.matmul %get3A_100, %convert_element_type3A, %dot_general3A_101 {dimension_numbers = #tpu.dot_dimension_numbers<[1], [0], [0], [1], [0, 0, 1, 1], [], []>, transpose_lhs_hint = false} : vector<512x512xbf16>, vector<512x512xbf16>, vector<512x512xf32> -> vector<512x512xf32>
    %get3A_103 = arith.constant 0 : index
    %get3A_104 = arith.constant 0 : index
    %get3A_105 = vector.load %arg4[%get3A_103, %get3A_104] : memref<512x1xf32, #tpu.memory_space<vmem>>, vector<512x1xf32>
    %add3A_106 = vector.broadcast %get3A_105 : vector<512x1xf32> to vector<512x512xf32>
    %add3A_107 = arith.addf %dot_general3A_102, %add3A_106 : vector<512x512xf32>
    %swap3A_108 = arith.constant 0 : index
    %swap3A_109 = arith.constant 5 : index
    %swap3A_110 = arith.constant 0 : index
    %swap3A_111 = arith.constant 0 : index
    %swap3A_112 = vector.load %arg5[%swap3A_108, %swap3A_109, %swap3A_110, %swap3A_111] : memref<1x12x512x512xf32, #tpu.memory_space<vmem>>, vector<1x1x512x512xf32>
    %swap3A_113 = vector.shape_cast %swap3A_112 : vector<1x1x512x512xf32> to vector<512x512xf32>
    %swap3A_114 = vector.shape_cast %add3A_107 : vector<512x512xf32> to vector<1x1x512x512xf32>
    tpu.vector_store %arg5[%swap3A_108, %swap3A_109, %swap3A_110, %swap3A_111], %swap3A_114 {strides = array<i32>} : memref<1x12x512x512xf32, #tpu.memory_space<vmem>>, vector<1x1x512x512xf32>,
    %get3A_115 = arith.constant 6 : index
    %get3A_116 = arith.constant 0 : index
    %get3A_117 = arith.constant 0 : index
    %get3A_118 = vector.load %arg3[%get3A_115, %get3A_116, %get3A_117] : memref<12x512x512xbf16, #tpu.memory_space<vmem>>, vector<1x512x512xbf16>
    %get3A_119 = vector.shape_cast %get3A_118 : vector<1x512x512xbf16> to vector<512x512xbf16>
    %dot_general3A_120 = arith.constant dense<0.000000e+00> : vector<512x512xf32>
    %dot_general3A_121 = tpu.matmul %get3A_119, %convert_element_type3A, %dot_general3A_120 {dimension_numbers = #tpu.dot_dimension_numbers<[1], [0], [0], [1], [0, 0, 1, 1], [], []>, transpose_lhs_hint = false} : vector<512x512xbf16>, vector<512x512xbf16>, vector<512x512xf32> -> vector<512x512xf32>
    %get3A_122 = arith.constant 0 : index
    %get3A_123 = arith.constant 0 : index
    %get3A_124 = vector.load %arg4[%get3A_122, %get3A_123] : memref<512x1xf32, #tpu.memory_space<vmem>>, vector<512x1xf32>
    %add3A_125 = vector.broadcast %get3A_124 : vector<512x1xf32> to vector<512x512xf32>
    %add3A_126 = arith.addf %dot_general3A_121, %add3A_125 : vector<512x512xf32>
    %swap3A_127 = arith.constant 0 : index
    %swap3A_128 = arith.constant 6 : index
    %swap3A_129 = arith.constant 0 : index
    %swap3A_130 = arith.constant 0 : index
    %swap3A_131 = vector.load %arg5[%swap3A_127, %swap3A_128, %swap3A_129, %swap3A_130] : memref<1x12x512x512xf32, #tpu.memory_space<vmem>>, vector<1x1x512x512xf32>
    %swap3A_132 = vector.shape_cast %swap3A_131 : vector<1x1x512x512xf32> to vector<512x512xf32>
    %swap3A_133 = vector.shape_cast %add3A_126 : vector<512x512xf32> to vector<1x1x512x512xf32>
    tpu.vector_store %arg5[%swap3A_127, %swap3A_128, %swap3A_129, %swap3A_130], %swap3A_133 {strides = array<i32>} : memref<1x12x512x512xf32, #tpu.memory_space<vmem>>, vector<1x1x512x512xf32>,
    %get3A_134 = arith.constant 7 : index
    %get3A_135 = arith.constant 0 : index
    %get3A_136 = arith.constant 0 : index
    %get3A_137 = vector.load %arg3[%get3A_134, %get3A_135, %get3A_136] : memref<12x512x512xbf16, #tpu.memory_space<vmem>>, vector<1x512x512xbf16>
    %get3A_138 = vector.shape_cast %get3A_137 : vector<1x512x512xbf16> to vector<512x512xbf16>
    %dot_general3A_139 = arith.constant dense<0.000000e+00> : vector<512x512xf32>
    %dot_general3A_140 = tpu.matmul %get3A_138, %convert_element_type3A, %dot_general3A_139 {dimension_numbers = #tpu.dot_dimension_numbers<[1], [0], [0], [1], [0, 0, 1, 1], [], []>, transpose_lhs_hint = false} : vector<512x512xbf16>, vector<512x512xbf16>, vector<512x512xf32> -> vector<512x512xf32>
    %get3A_141 = arith.constant 0 : index
    %get3A_142 = arith.constant 0 : index
    %get3A_143 = vector.load %arg4[%get3A_141, %get3A_142] : memref<512x1xf32, #tpu.memory_space<vmem>>, vector<512x1xf32>
    %add3A_144 = vector.broadcast %get3A_143 : vector<512x1xf32> to vector<512x512xf32>
    %add3A_145 = arith.addf %dot_general3A_140, %add3A_144 : vector<512x512xf32>
    %swap3A_146 = arith.constant 0 : index
    %swap3A_147 = arith.constant 7 : index
    %swap3A_148 = arith.constant 0 : index
    %swap3A_149 = arith.constant 0 : index
    %swap3A_150 = vector.load %arg5[%swap3A_146, %swap3A_147, %swap3A_148, %swap3A_149] : memref<1x12x512x512xf32, #tpu.memory_space<vmem>>, vector<1x1x512x512xf32>
    %swap3A_151 = vector.shape_cast %swap3A_150 : vector<1x1x512x512xf32> to vector<512x512xf32>
    %swap3A_152 = vector.shape_cast %add3A_145 : vector<512x512xf32> to vector<1x1x512x512xf32>
    tpu.vector_store %arg5[%swap3A_146, %swap3A_147, %swap3A_148, %swap3A_149], %swap3A_152 {strides = array<i32>} : memref<1x12x512x512xf32, #tpu.memory_space<vmem>>, vector<1x1x512x512xf32>,
    %get3A_153 = arith.constant 8 : index
    %get3A_154 = arith.constant 0 : index
    %get3A_155 = arith.constant 0 : index
    %get3A_156 = vector.load %arg3[%get3A_153, %get3A_154, %get3A_155] : memref<12x512x512xbf16, #tpu.memory_space<vmem>>, vector<1x512x512xbf16>
    %get3A_157 = vector.shape_cast %get3A_156 : vector<1x512x512xbf16> to vector<512x512xbf16>
    %dot_general3A_158 = arith.constant dense<0.000000e+00> : vector<512x512xf32>
    %dot_general3A_159 = tpu.matmul %get3A_157, %convert_element_type3A, %dot_general3A_158 {dimension_numbers = #tpu.dot_dimension_numbers<[1], [0], [0], [1], [0, 0, 1, 1], [], []>, transpose_lhs_hint = false} : vector<512x512xbf16>, vector<512x512xbf16>, vector<512x512xf32> -> vector<512x512xf32>
    %get3A_160 = arith.constant 0 : index
    %get3A_161 = arith.constant 0 : index
    %get3A_162 = vector.load %arg4[%get3A_160, %get3A_161] : memref<512x1xf32, #tpu.memory_space<vmem>>, vector<512x1xf32>
    %add3A_163 = vector.broadcast %get3A_162 : vector<512x1xf32> to vector<512x512xf32>
    %add3A_164 = arith.addf %dot_general3A_159, %add3A_163 : vector<512x512xf32>
    %swap3A_165 = arith.constant 0 : index
    %swap3A_166 = arith.constant 8 : index
    %swap3A_167 = arith.constant 0 : index
    %swap3A_168 = arith.constant 0 : index
    %swap3A_169 = vector.load %arg5[%swap3A_165, %swap3A_166, %swap3A_167, %swap3A_168] : memref<1x12x512x512xf32, #tpu.memory_space<vmem>>, vector<1x1x512x512xf32>
    %swap3A_170 = vector.shape_cast %swap3A_169 : vector<1x1x512x512xf32> to vector<512x512xf32>
    %swap3A_171 = vector.shape_cast %add3A_164 : vector<512x512xf32> to vector<1x1x512x512xf32>
    tpu.vector_store %arg5[%swap3A_165, %swap3A_166, %swap3A_167, %swap3A_168], %swap3A_171 {strides = array<i32>} : memref<1x12x512x512xf32, #tpu.memory_space<vmem>>, vector<1x1x512x512xf32>,
    %get3A_172 = arith.constant 9 : index
    %get3A_173 = arith.constant 0 : index
    %get3A_174 = arith.constant 0 : index
    %get3A_175 = vector.load %arg3[%get3A_172, %get3A_173, %get3A_174] : memref<12x512x512xbf16, #tpu.memory_space<vmem>>, vector<1x512x512xbf16>
    %get3A_176 = vector.shape_cast %get3A_175 : vector<1x512x512xbf16> to vector<512x512xbf16>
    %dot_general3A_177 = arith.constant dense<0.000000e+00> : vector<512x512xf32>
    %dot_general3A_178 = tpu.matmul %get3A_176, %convert_element_type3A, %dot_general3A_177 {dimension_numbers = #tpu.dot_dimension_numbers<[1], [0], [0], [1], [0, 0, 1, 1], [], []>, transpose_lhs_hint = false} : vector<512x512xbf16>, vector<512x512xbf16>, vector<512x512xf32> -> vector<512x512xf32>
    %get3A_179 = arith.constant 0 : index
    %get3A_180 = arith.constant 0 : index
    %get3A_181 = vector.load %arg4[%get3A_179, %get3A_180] : memref<512x1xf32, #tpu.memory_space<vmem>>, vector<512x1xf32>
    %add3A_182 = vector.broadcast %get3A_181 : vector<512x1xf32> to vector<512x512xf32>
    %add3A_183 = arith.addf %dot_general3A_178, %add3A_182 : vector<512x512xf32>
    %swap3A_184 = arith.constant 0 : index
    %swap3A_185 = arith.constant 9 : index
    %swap3A_186 = arith.constant 0 : index
    %swap3A_187 = arith.constant 0 : index
    %swap3A_188 = vector.load %arg5[%swap3A_184, %swap3A_185, %swap3A_186, %swap3A_187] : memref<1x12x512x512xf32, #tpu.memory_space<vmem>>, vector<1x1x512x512xf32>
    %swap3A_189 = vector.shape_cast %swap3A_188 : vector<1x1x512x512xf32> to vector<512x512xf32>
    %swap3A_190 = vector.shape_cast %add3A_183 : vector<512x512xf32> to vector<1x1x512x512xf32>
    tpu.vector_store %arg5[%swap3A_184, %swap3A_185, %swap3A_186, %swap3A_187], %swap3A_190 {strides = array<i32>} : memref<1x12x512x512xf32, #tpu.memory_space<vmem>>, vector<1x1x512x512xf32>,
    %get3A_191 = arith.constant 10 : index
    %get3A_192 = arith.constant 0 : index
    %get3A_193 = arith.constant 0 : index
    %get3A_194 = vector.load %arg3[%get3A_191, %get3A_192, %get3A_193] : memref<12x512x512xbf16, #tpu.memory_space<vmem>>, vector<1x512x512xbf16>
    %get3A_195 = vector.shape_cast %get3A_194 : vector<1x512x512xbf16> to vector<512x512xbf16>
    %dot_general3A_196 = arith.constant dense<0.000000e+00> : vector<512x512xf32>
    %dot_general3A_197 = tpu.matmul %get3A_195, %convert_element_type3A, %dot_general3A_196 {dimension_numbers = #tpu.dot_dimension_numbers<[1], [0], [0], [1], [0, 0, 1, 1], [], []>, transpose_lhs_hint = false} : vector<512x512xbf16>, vector<512x512xbf16>, vector<512x512xf32> -> vector<512x512xf32>
    %get3A_198 = arith.constant 0 : index
    %get3A_199 = arith.constant 0 : index
    %get3A_200 = vector.load %arg4[%get3A_198, %get3A_199] : memref<512x1xf32, #tpu.memory_space<vmem>>, vector<512x1xf32>
    %add3A_201 = vector.broadcast %get3A_200 : vector<512x1xf32> to vector<512x512xf32>
    %add3A_202 = arith.addf %dot_general3A_197, %add3A_201 : vector<512x512xf32>
    %swap3A_203 = arith.constant 0 : index
    %swap3A_204 = arith.constant 10 : index
    %swap3A_205 = arith.constant 0 : index
    %swap3A_206 = arith.constant 0 : index
    %swap3A_207 = vector.load %arg5[%swap3A_203, %swap3A_204, %swap3A_205, %swap3A_206] : memref<1x12x512x512xf32, #tpu.memory_space<vmem>>, vector<1x1x512x512xf32>
    %swap3A_208 = vector.shape_cast %swap3A_207 : vector<1x1x512x512xf32> to vector<512x512xf32>
    %swap3A_209 = vector.shape_cast %add3A_202 : vector<512x512xf32> to vector<1x1x512x512xf32>
    tpu.vector_store %arg5[%swap3A_203, %swap3A_204, %swap3A_205, %swap3A_206], %swap3A_209 {strides = array<i32>} : memref<1x12x512x512xf32, #tpu.memory_space<vmem>>, vector<1x1x512x512xf32>,
    %get3A_210 = arith.constant 11 : index
    %get3A_211 = arith.constant 0 : index
    %get3A_212 = arith.constant 0 : index
    %get3A_213 = vector.load %arg3[%get3A_210, %get3A_211, %get3A_212] : memref<12x512x512xbf16, #tpu.memory_space<vmem>>, vector<1x512x512xbf16>
    %get3A_214 = vector.shape_cast %get3A_213 : vector<1x512x512xbf16> to vector<512x512xbf16>
    %dot_general3A_215 = arith.constant dense<0.000000e+00> : vector<512x512xf32>
    %dot_general3A_216 = tpu.matmul %get3A_214, %convert_element_type3A, %dot_general3A_215 {dimension_numbers = #tpu.dot_dimension_numbers<[1], [0], [0], [1], [0, 0, 1, 1], [], []>, transpose_lhs_hint = false} : vector<512x512xbf16>, vector<512x512xbf16>, vector<512x512xf32> -> vector<512x512xf32>
    %get3A_217 = arith.constant 0 : index
    %get3A_218 = arith.constant 0 : index
    %get3A_219 = vector.load %arg4[%get3A_217, %get3A_218] : memref<512x1xf32, #tpu.memory_space<vmem>>, vector<512x1xf32>
    %add3A_220 = vector.broadcast %get3A_219 : vector<512x1xf32> to vector<512x512xf32>
    %add3A_221 = arith.addf %dot_general3A_216, %add3A_220 : vector<512x512xf32>
    %swap3A_222 = arith.constant 0 : index
    %swap3A_223 = arith.constant 11 : index
    %swap3A_224 = arith.constant 0 : index
    %swap3A_225 = arith.constant 0 : index
    %swap3A_226 = vector.load %arg5[%swap3A_222, %swap3A_223, %swap3A_224, %swap3A_225] : memref<1x12x512x512xf32, #tpu.memory_space<vmem>>, vector<1x1x512x512xf32>
    %swap3A_227 = vector.shape_cast %swap3A_226 : vector<1x1x512x512xf32> to vector<512x512xf32>
    %swap3A_228 = vector.shape_cast %add3A_221 : vector<512x512xf32> to vector<1x1x512x512xf32>
    tpu.vector_store %arg5[%swap3A_222, %swap3A_223, %swap3A_224, %swap3A_225], %swap3A_228 {strides = array<i32>} : memref<1x12x512x512xf32, #tpu.memory_space<vmem>>, vector<1x1x512x512xf32>,
    return
  }
  func.func @transform_0(%arg0: i32, %arg1: i32) -> (i32, i32, i32) {
    %c0_i32 = arith.constant 0 : i32
    %c0_i32_0 = arith.constant 0 : i32
    return %arg0, %c0_i32, %arg1 : i32, i32, i32
  }
  func.func @transform_1(%arg0: i32, %arg1: i32) -> (i32, i32, i32) {
    %c0_i32 = arith.constant 0 : i32
    %c0_i32_0 = arith.constant 0 : i32
    %c0_i32_1 = arith.constant 0 : i32
    %c0_i32_2 = arith.constant 0 : i32
    return %c0_i32, %c0_i32_0, %c0_i32_1 : i32, i32, i32
  }
  func.func @transform_2(%arg0: i32, %arg1: i32) -> (i32, i32) {
    %c0_i32 = arith.constant 0 : i32
    %c0_i32_0 = arith.constant 0 : i32
    %c0_i32_1 = arith.constant 0 : i32
    return %c0_i32, %c0_i32_0 : i32, i32
  }
  func.func @transform_3(%arg0: i32, %arg1: i32) -> (i32, i32, i32, i32) {
    %c0_i32 = arith.constant 0 : i32
    %c0_i32_0 = arith.constant 0 : i32
    %c0_i32_1 = arith.constant 0 : i32
    return %arg0, %c0_i32, %c0_i32_0, %arg1 : i32, i32, i32, i32
  }
}

</mosaic_0001>

<sc_bundles>
// kernel: kernel.4.cloned.1.call-start
scs
__scs_entry_jumppad:
0x0: {  	(pc) =	sbr.rel $0x88, $3  }
0x1: {  	(tag) =	ssettag $0x0;
	lr =	simm.s32 $0x1  }
0x2: {  	[smem:$0x3F9D] =	sst lr;
	_ =	strace $0xD0000000  }
0x3: {  	_ = 	snop  }
0x4: {  	_ = 	snop  }
0x5: {  	_ = 	snop  }
0x6: {  	_ = 	snop  }
0x7: {  	_ = 	snop  }
__scs_overlays_trampoline_lowered:
0x8: {  	[smem:$0x3FAC] =	sst s0  }
0x9: {  	[smem:$0x3FAD] =	sst s1  }
0xa: {  	[smem:$0x3FAE] =	sst s2  }
0xb: {  	[smem:$0x3FAF] =	sst s3  }
0xc: {  	[smem:$0x3FB0] =	sst s4  }
0xd: {  	[smem:$0x3FB1] =	sst s5  }
0xe: {  	[smem:$0x3FB2] =	sst s6  }
0xf: {  	[smem:$0x3FB3] =	sst s7  }
0x10: {  	[smem:$0x3FB4] =	sst s8  }
0x11: {  	[smem:$0x3FB5] =	sst s9;
	s0 =	simm.s32 @!p0 $0x0  }
0x12: {  	s1 =	sld [smem:$0x3F9B];
	s0 =	simm.s32 @p0 $0x1  }
0x13: {  	[smem:$0x3FB6] =	sst s0;
	s0 =	simm.s32 @!p1 $0x0  }
0x14: {  	s2 =	sld [smem:$0x3F9A];
	s0 =	simm.s32 @p1 $0x1  }
0x15: {  	[smem:$0x3FB7] =	sst s0;
	s0 =	simm.s32 @!p2 $0x0  }
0x16: {  	s3 =	sld [smem:$0x3FDB];
	s0 =	simm.s32 @p2 $0x1  }
0x17: {  	s4 =	simm.s32 $0x1BF5;
	[smem:$0x3FB9] =	sst s0  }
0x18: {  	s0 =	sld [smem:$0x3F9C];
	_ =	swait.ge [sflag:s4], $0x0  }
0x19: {  	s7 =	sld [smem:$0x3F9D]  }
0x1a: {  	s8 =	sadd.s32 $0xFFFFE003, lr  }
0x1b: {  	s9 =	sadd.s32 $0xFFFFFEF7, lr;
	s5 =	simm.s32 $0xFFFFFFFF;
	p2 =	slt.u32 s8, $0xFFFFF086  }
0x1c: {  	p1 =	slt.u32 s9, $0xF7A;
	s5 =	simm.s32 @!p2 $0x0  }
0x1d: {  	s5 =	simm.s32 @p1 $0x1;
	p0 =	seq.s32 s7, s2  }
0x1e: {  	s7 =	smul.u32 @!p0 $0xF7A, s2;
	p2 =	seq.s32 @!p0 s5, $0x0  }
0x1f: {  	s9 =	smul.u32 $0xF7A, s1;
	s8 =	simm.s32 @!p0 $0x1BF5;
	p2 =	por !p2, p0  }
0x20: {  	[sflag:s8] =	ssyncset.s32 @!p0 $0xFFFFF086;
	s6 =	sadd.s32 @!p0 s3, s7;
	s7 =	simm.s32 @!p0 $0x108  }
0x21: {  	s3 =	sadd.s32 s3, s9;
	s6 =	sadd.s32 @!p0 $0x88, s6;
	s7 =	simm.s32 @p2 $0x1082  }
0x22: {  	[simem:s7], [sflag:s8] =	dma.local @!p0 [hbm:s6], $0xF7A  }
0x23: {  	s9 =	sor.u32 $0xD0000000, s2;
	s6 =	simm.s32 $0x108;
	_ =	swait.ge @!p0 [sflag:s8], $0x0  }
0x24: {  	s3 =	sadd.s32 $0x88, s3;
	s6 =	simm.s32 @!p1 $0x1082;
	[sflag:s4] =	ssyncset.s32 $0xFFFFF086  }
0x25: {  	[simem:s6], [sflag:s4] =	dma.local [hbm:s3], $0xF7A  }
0x26: {  	[smem:$0x3F9D] =	sst s1;
	(tag) =	ssettag s2;
	_ =	strace s9  }
0x27: {  	s1 =	sld [smem:$0x3FAD]  }
0x28: {  	s2 =	sld [smem:$0x3FAE]  }
0x29: {  	s4 =	sld [smem:$0x3FB0]  }
0x2a: {  	p0 =	seq.s32 s5, $0x0;
	s5 =	sld [smem:$0x3FB1]  }
0x2b: {  	s6 =	sld [smem:$0x3FB2]  }
0x2c: {  	s7 =	sld [smem:$0x3FB3]  }
0x2d: {  	s3 =	simm.s32 $0x108;
	s8 =	sld [smem:$0x3FB4]  }
0x2e: {  	s3 =	simm.s32 @!p0 $0x1082;
	s9 =	sld [smem:$0x3FB5]  }
0x2f: {  	lr =	sadd.s32 s0, s3;
	s0 =	sld [smem:$0x3FAC]  }
0x30: {  	s3 =	sld [smem:$0x3FAF]  }
0x31: {  	[smem:$0x3FB8] =	sst s10  }
0x32: {  	s10 =	sld [smem:$0x3FB6];
	_ =	sdelay $0x3  }
0x33: {  	p0 =	seq.s32 s10, $0x1;
	s10 =	sld [smem:$0x3FB8];
	_ =	sdelay $0x3  }
0x34: {  	[smem:$0x3FB8] =	sst s10  }
0x35: {  	s10 =	sld [smem:$0x3FB7];
	_ =	sdelay $0x3  }
0x36: {  	p1 =	seq.s32 s10, $0x1;
	s10 =	sld [smem:$0x3FB8];
	_ =	sdelay $0x3  }
0x37: {  	[smem:$0x3FB8] =	sst s10  }
0x38: {  	s10 =	sld [smem:$0x3FB9]  }
0x39: {  	_ = 	snop;
	(pc) =	sbr.ind lr, $3  }
0x3a: {  	_ = 	snop  }
0x3b: {  	_ = 	snop  }
0x3c: {  	p2 =	seq.s32 s10, $0x1;
	s10 =	sld [smem:$0x3FB8]  }
0x3d: {  	_ =	shalt  }
0x3e: {  	_ =	shalt  }
0x3f: {  	_ =	shalt  }
0x40: {  	_ =	shalt  }
0x41: {  	_ =	shalt  }
0x42: {  	_ =	shalt  }
0x43: {  	_ =	shalt  }
0x44: {  	_ =	shalt  }
0x45: {  	_ =	shalt  }
0x46: {  	_ =	shalt  }
0x47: {  	_ =	shalt  }
0x48: {  	_ =	shalt  }
0x49: {  	_ =	shalt  }
0x4a: {  	_ =	shalt  }
0x4b: {  	_ =	shalt  }
0x4c: {  	_ =	shalt  }
0x4d: {  	_ =	shalt  }
0x4e: {  	_ =	shalt  }
0x4f: {  	_ =	shalt  }
0x50: {  	_ =	shalt  }
0x51: {  	_ =	shalt  }
0x52: {  	_ =	shalt  }
0x53: {  	_ =	shalt  }
0x54: {  	_ =	shalt  }
0x55: {  	_ =	shalt  }
0x56: {  	_ =	shalt  }
0x57: {  	_ =	shalt  }
0x58: {  	_ =	shalt  }
0x59: {  	_ =	shalt  }
0x5a: {  	_ =	shalt  }
0x5b: {  	_ =	shalt  }
0x5c: {  	_ =	shalt  }
0x5d: {  	_ =	shalt  }
0x5e: {  	_ =	shalt  }
0x5f: {  	_ =	shalt  }
0x60: {  	_ =	shalt  }
0x61: {  	_ =	shalt  }
0x62: {  	_ =	shalt  }
0x63: {  	_ =	shalt  }
0x64: {  	_ =	shalt  }
0x65: {  	_ =	shalt  }
0x66: {  	_ =	shalt  }
0x67: {  	_ =	shalt  }
0x68: {  	_ =	shalt  }
0x69: {  	_ =	shalt  }
0x6a: {  	_ =	shalt  }
0x6b: {  	_ =	shalt  }
0x6c: {  	_ =	shalt  }
0x6d: {  	_ =	shalt  }
0x6e: {  	_ =	shalt  }
0x6f: {  	_ =	shalt  }
0x70: {  	_ =	shalt  }
0x71: {  	_ =	shalt  }
0x72: {  	_ =	shalt  }
0x73: {  	_ =	shalt  }
0x74: {  	_ =	shalt  }
0x75: {  	_ =	shalt  }
0x76: {  	_ =	shalt  }
0x77: {  	_ =	shalt  }
0x78: {  	_ =	shalt  }
0x79: {  	_ =	shalt  }
0x7a: {  	_ =	shalt  }
0x7b: {  	_ =	shalt  }
0x7c: {  	_ =	shalt  }
0x7d: {  	_ =	shalt  }
0x7e: {  	_ =	shalt  }
0x7f: {  	_ =	shalt  }
0x80: {  	_ =	shalt  }
0x81: {  	_ =	shalt  }
0x82: {  	_ =	shalt  }
0x83: {  	_ =	shalt  }
0x84: {  	_ =	shalt  }
0x85: {  	_ =	shalt  }
0x86: {  	_ =	shalt  }
0x87: {  	_ =	shalt  }
.Lfunc_end0:
.L_simem_size_0:
called_computation_lowered:
.L_overlay_start_0:
0x88: {  	s2 =	sld [smem:$0x3FD9]  }
0x89: {  	s3 =	sld [smem:$0x3FFE];
	_ =	sdelay $0x1  }
0x8a: {  	s1 =	srdreg.scid  }
0x8b: {  	s0 =	sand.u32 $0x1, s1  }
0x8c: {  	s15 =	sshll.u32 s0, $0xA;
	s2 =	sadd.s32 s3, s2  }
0x8d: {  	s2 =	sadd.s32 s2, s15  }
0x8e: {  	[smem:$0x3FC4] =	sst s2  }
0x8f: {  	_ = 	snop  }
0x90: {  	s2 =	sld [smem:$0x3FD0];
	_ =	sdelay $0x2  }
0x91: {  	s4 =	simm.s32 $0xA;
	s5 =	simm.s32 $0x10;
	s16 =	sld [smem:$0x3FC8]  }
0x92: {  	[smem:s5], [sflag:s4] =	dma.local [hbm:s2], $0x1  }
0x93: {  	_ =	swait.eq [sflag:s4], $0x1  }
0x94: {  	[sflag:s4] =	ssyncset.done $0x0  }
0x95: {  	s17 =	sld [smem:$0x10];
	[sflag:s4] =	ssyncadd.s32 $0xFFFFFFFF  }
0x96: {  	s18 =	sld [smem:$0x11];
	(tm) =	ssettm $0x1  }
0x97: {  	s19 =	sld [smem:$0x3FFB];
	_ =	sdelay $0x3  }
0x98: {  	_ =	strace s19  }
0x99: {  	s5 =	sld [smem:$0x3FFC];
	_ =	sdelay $0x3  }
0x9a: {  	_ =	strace s5  }
0x9b: {  	s5 =	sld [smem:$0x3FFD];
	_ =	sdelay $0x3  }
0x9c: {  	_ =	strace s5  }
0x9d: {  	_ =	strace $0x8FFFFFFF  }
0x9e: {  	s20 =	sld [smem:$0x3FDB];
	_ =	sdelay $0x1  }
0x9f: {  	s6 =	simm.s32 $_scs_section_size  }
0xa0: {  	s7 =	simm.s32 $_size__tile_overlayer_lowered;
	s8 =	simm.s32 $_tile_overlayer_lowered  }
0xa1: {  	s23 =	simm.s32 $0x1BFF;
	s22 =	sshll.u32 s8, $0x1;
	s5 =	sadd.s32 s6, s20  }
0xa2: {  	s9 =	simm.s32 $0x0;
	s21 =	sshll.u32 s7, $0x1;
	s7 =	sadd.s32 s22, s5  }
0xa3: {  	[timem:s9], [sflag:s23] =	dma.local [hbm:s7], s21  }
0xa4: {  	_ =	swait.ge [sflag:s23], s21  }
0xa5: {  	s6 =	ssub.s32 $0x0, s21;
	[sflag:s23] =	ssyncset.done $0x0  }
0xa6: {  	[sflag:s23] =	ssyncadd.s32 s6;
	_ =	sdelay $0x1  }
0xa7: {  	s24 =	simm.s32 $0x1B8B  }
0xa8: {  	_ =	swait.ge [sflag:s24], $0x1  }
0xa9: {  	[sflag:s24] =	ssyncset.done $0x0  }
0xaa: {  	s25 =	simm.s32 $0x1B8E;
	[sflag:s24] =	ssyncadd.s32 $0xFFFFFFFF  }
0xab: {  	s26 =	simm.s32 $execute0_lowered;
	[smem:$0x3FD2] =	sst s25  }
0xac: {  	s6 =	sshll.u32 s26, $0x1;
	_ =	strace $0x80000046;
	[dreg:$0x1] =	wrdreg $0xFFFFFFFF  }
0xad: {  	s28 =	simm.s32 $_size_execute0_lowered;
	s5 =	sadd.s32 s5, s6;
	[dreg:$0x0] =	wrdreg $0x0  }
0xae: {  	s6 =	sshll.u32 s28, $0x1;
	[dreg:$0x2] =	wrdreg s5  }
0xaf: {  	[dreg:$0x3] =	wrdreg s6  }
0xb0: {  	[dreg:$0x4] =	wrdreg $0xC0  }
0xb1: {  	_ =	task [dreg:s9], $0x5FFFF  }
0xb2: {  	[dreg:$0x1] =	wrdreg $0xFFFFFFFF  }
0xb3: {  	[dreg:$0x0] =	wrdreg $0x60  }
0xb4: {  	[dreg:$0x2] =	wrdreg s16  }
0xb5: {  	[dreg:$0x3] =	wrdreg s17  }
0xb6: {  	[dreg:$0x4] =	wrdreg s18  }
0xb7: {  	[dreg:$0x5] =	wrdreg $0x9  }
0xb8: {  	_ =	task.clear_ibuf [dreg:s9], $0x6FFFF;
	_ =	strace $0x90000046  }
0xb9: {  	s29 =	simm.s32 $0x9;
	_ =	strace $0x80000048  }
0xba: {  	_ =	swait.ge [sflag:s29], $0x1  }
0xbb: {  	[sflag:s29] =	ssyncadd.s32 $0xFFFFFFFF  }
0xbc: {  	_ =	strace $0x90000048  }
0xbd: {  	_ =	sfence  }
0xbe: {  	s30 =	sld [smem:$0x0];
	_ =	sdelay $0x2  }
0xbf: {  	s31 =	sshll.u32 s1, $0xD;
	s1 =	sshrl.u32 s1, $0x2  }
0xc0: {  	s3 =	sand.u32 $0x4000, s31;
	s1 =	sadd.s32 s1, s30  }
0xc1: {  	s0 =	sor.u32 s3, s0;
	s1 =	sshll.u32 s1, $0x11  }
0xc2: {  	s0 =	sor.u32 s1, s0  }
0xc3: {  	s0 =	sadd.s32 $0x8F2B, s0  }
0xc4: {  	[sflag:s0] =	ssyncadd.remote.s32 $0x1  }
0xc5: {  	_ =	sfence.sel $0xFFFF  }
0xc6: {  	[dreg:$0x0] =	wrdreg $0xFFFFFFFF;
	(pc) =	sbr.abs _section_cstart, $3  }
0xc7: {  	[dreg:$0x1] =	wrdreg $0xFFFFFFFF  }
0xc8: {  	_ =	task.clear_ibuf [dreg:s9], $0x2FFFF;
	_ =	strace $0x9FFFFFFF  }
0xc9: {  	(tm) =	ssettm $0x7FFFFFFF  }
tec
execute0_lowered:
.L_overlay_start_1:
0x0: {  	(tag) =	ssettag $0x1  }
0x1: {  	s1 =	rddreg [dreg:$0x0]  }
0x2: {  	s5 =	rddreg [dreg:$0x1]  }
0x3: {  	s2 =	rddreg [dreg:$0x2];
	s3 =	srdreg.scid  }
0x4: {  	s0 =	rddreg [dreg:$0x3];
	s4 =	simm.s32 $0x0;
	s11 =	simm.s32 $0x1  }
0x5: {  	s12 =	simm.s32 $0x1000;
	s13 =	simm.s32 $0x9000;
	s14 =	simm.s32 $0x0  }
0x6: {  	s6 =	sand.u32 $0x1, s3;
	[smem:$0x7FF] =	sst s4;
	s3 =	stileid.u32  }
0x7: {  	s7 =	ssub.s32 $0x2, s6;
	_ =	strace $0x80000047;
	s9 =	sshrl.u32 s3, $0x2  }
0x8: {  	s10 =	sshll.u32 s3, $0x4;
	s31 =	sshll.u32 s6, $0x3;
	s8 =	sshrl.u32 s7, $0x1  }
0x9: {  	s29 =	sshll.u32 s9, $0x4;
	s30 =	sand.u32 $0x30, s10;
	s6 =	sshll.u32 s9, $0x12  }
0xa: {  	s9 =	simm.s32 $0x80;
	s10 =	simm.s32 $0x200;
	s8 =	ssub.s32 s7, s8  }
0xb: {  	v0 =	vlaneseq.u32;
	v1 =	vimm.s32 $0x0;
	s5 =	sadd.s32 s5, s29;
	s7 =	sor.u32 s31, s30;
	s8 =	smax.u32 s8, $0x1  }
.LBB2_1:
0xc: {  	[tilespmem:s4], [sflag:$0x1] =	stream.strided.gather [hbm4b:s5+s9], $0x1000, s10, s9, $0x38;
	[tilespmem:$0x11000] =	vst v63  }
0xd: {  	_ =	swait.ge [sflag:s11], $0x1000  }
0xe: {  	[sflag:s11] =	ssyncset.done $0x0  }
0xf: {  	s15 =	simm.s32 $0x0;
	[sflag:s11] =	ssyncadd.s32 $0xFFFFF000  }
.LBB2_2:
0x10: {  	s16 =	sadd.s32 s7, s15  }
0x11: {  	s16 =	sshll.u32 s16, $0xC  }
0x12: {  	s16 =	sadd.s32 s6, s16  }
0x13: {  	s17 =	simm.s32 $0x0;
	s18 =	sadd.s32 s1, s16  }
0x14: {  	[tilespmem:s12], [sflag:$0x1] =	stream.linear.gather [hbm4b:s18+s17], $0x8000, $0x38;
	[tilespmem:$0x11000] =	vst v63  }
0x15: {  	_ =	swait.ge [sflag:s11], $0x8000  }
0x16: {  	[sflag:s11] =	ssyncset.done $0x0  }
0x17: {  	[sflag:s11] =	ssyncadd.s32 $0xFFFF8000  }
0x18: {  	v2 =	vld [tilespmem:s17+$0x0];
	_ =	sdelay $0x3  }
0x19: {  	v3 =	vor.u32 s17, v0  }
0x1a: {  	vm0 =	vge.s32 v2, v3  }
0x1b: {  	v3 =	vsel vm0, $0x1, v1  }
0x1c: {  	v2 =	vadd.s32 v3, v2  }
0x1d: {  	v3 =	vshll.u32 v2, $0x3  }
0x1e: {  	v2 =	vand.u32 $0x7F, v2;
	v3 =	vand.u32 $0xFFFFFC00, v3  }
0x1f: {  	v2 =	vor.u32 v2, v3;
	_ =	sdelay $0x4  }
0x20: {  	v3 =	vld.idx.msk [tilespmem:v2+s12+$0x0], $0xffff  }
0x21: {  	v4 =	vor.u32 $0x80, v2;
	_ =	sdelay $0x1  }
0x22: {  	s29 =	sand.u32 $0x70, s17;
	s19 =	sand.u32 $0x7C00, s17  }
0x23: {  	s19 =	sor.u32 s29, s19  }
0x24: {  	[tilespmem:s19+$0x9000] =	vst v3  }
0x25: {  	v3 =	vld.idx.msk [tilespmem:v4+s12+$0x0], $0xffff  }
0x26: {  	v59 =	vor.u32 $0x100, v2;
	_ =	sdelay $0x3  }
0x27: {  	[tilespmem:s19+$0x9080] =	vst v3  }
0x28: {  	v3 =	vld.idx.msk [tilespmem:v59+s12+$0x0], $0xffff  }
0x29: {  	v60 =	vor.u32 $0x180, v2;
	_ =	sdelay $0x3  }
0x2a: {  	[tilespmem:s19+$0x9100] =	vst v3  }
0x2b: {  	v3 =	vld.idx.msk [tilespmem:v60+s12+$0x0], $0xffff  }
0x2c: {  	v61 =	vor.u32 $0x200, v2;
	_ =	sdelay $0x3  }
0x2d: {  	[tilespmem:s19+$0x9180] =	vst v3  }
0x2e: {  	v3 =	vld.idx.msk [tilespmem:v61+s12+$0x0], $0xffff  }
0x2f: {  	v62 =	vor.u32 $0x280, v2;
	_ =	sdelay $0x3  }
0x30: {  	[tilespmem:s19+$0x9200] =	vst v3  }
0x31: {  	v3 =	vld.idx.msk [tilespmem:v62+s12+$0x0], $0xffff  }
0x32: {  	v63 =	vor.u32 $0x300, v2;
	_ =	sdelay $0x3  }
0x33: {  	[tilespmem:s19+$0x9280] =	vst v3  }
0x34: {  	v3 =	vld.idx.msk [tilespmem:v63+s12+$0x0], $0xffff  }
0x35: {  	v2 =	vor.u32 $0x380, v2;
	_ =	sdelay $0x3  }
0x36: {  	[tilespmem:s19+$0x9300] =	vst v3  }
0x37: {  	v2 =	vld.idx.msk [tilespmem:v2+s12+$0x0], $0xffff  }
0x38: {  	s30 =	sand.u32 $0x7, s17  }
0x39: {  	s20 =	sshll.u32 s30, $0x4  }
0x3a: {  	s31 =	sadd.s32 $0x0, s20;
	s20 =	simm.s32 $0x0  }
0x3b: {  	s18 =	simm.s32 $0x10;
	s21 =	sor.u32 $0x380, s31;
	s19 =	simm.s32 $0x0  }
.LBB2_3:
0x3c: {  	[tilespmem:s21+$0x9000] =	vst v2;
	s17 =	sadd.s32 $0x80, s17;
	s19 =	sadd.s32 $0x1, s19;
	s20 =	sadd.s32 $0x10, s20  }
0x3d: {  	p0 =	sne.s32 s18, $0xFF0;
	s21 =	smov.u32 s18;
	s18 =	sadd.s32 $0x10, s18;
	v2 =	vld [tilespmem:s20+$0x0]  }
0x3e: {  	_ =	sdelay $0x2  }
0x3f: {  	v3 =	vor.u32 s21, v0  }
0x40: {  	vm0 =	vge.s32 v2, v3  }
0x41: {  	v3 =	vsel vm0, $0x1, v1  }
0x42: {  	v2 =	vadd.s32 v3, v2  }
0x43: {  	v3 =	vshll.u32 v2, $0x3  }
0x44: {  	v2 =	vand.u32 $0x7F, v2;
	v3 =	vand.u32 $0xFFFFFC00, v3  }
0x45: {  	v2 =	vor.u32 v2, v3;
	_ =	sdelay $0x4  }
0x46: {  	v3 =	vld.idx.msk [tilespmem:v2+s12+$0x0], $0xffff;
	_ =	sdelay $0x1  }
0x47: {  	v4 =	vor.u32 $0x80, v2;
	_ =	sdelay $0x1  }
0x48: {  	s21 =	sand.u32 $0x70, s21;
	s22 =	sand.u32 $0x7C00, s17  }
0x49: {  	s21 =	sor.u32 s21, s22  }
0x4a: {  	[tilespmem:s21+$0x9000] =	vst v3  }
0x4b: {  	v3 =	vld.idx.msk [tilespmem:v4+s12+$0x0], $0xffff;
	_ =	sdelay $0x1  }
0x4c: {  	v4 =	vor.u32 $0x100, v2;
	_ =	sdelay $0x3  }
0x4d: {  	[tilespmem:s21+$0x9080] =	vst v3  }
0x4e: {  	v3 =	vld.idx.msk [tilespmem:v4+s12+$0x0], $0xffff;
	_ =	sdelay $0x1  }
0x4f: {  	v4 =	vor.u32 $0x180, v2;
	_ =	sdelay $0x3  }
0x50: {  	[tilespmem:s21+$0x9100] =	vst v3  }
0x51: {  	v3 =	vld.idx.msk [tilespmem:v4+s12+$0x0], $0xffff;
	_ =	sdelay $0x1  }
0x52: {  	v4 =	vor.u32 $0x200, v2;
	_ =	sdelay $0x3  }
0x53: {  	[tilespmem:s21+$0x9180] =	vst v3  }
0x54: {  	v3 =	vld.idx.msk [tilespmem:v4+s12+$0x0], $0xffff;
	_ =	sdelay $0x1  }
0x55: {  	v4 =	vor.u32 $0x280, v2;
	_ =	sdelay $0x3  }
0x56: {  	[tilespmem:s21+$0x9200] =	vst v3  }
0x57: {  	v3 =	vld.idx.msk [tilespmem:v4+s12+$0x0], $0xffff;
	_ =	sdelay $0x1  }
0x58: {  	v4 =	vor.u32 $0x300, v2;
	_ =	sdelay $0x3  }
0x59: {  	[tilespmem:s21+$0x9280] =	vst v3  }
0x5a: {  	v3 =	vld.idx.msk [tilespmem:v4+s12+$0x0], $0xffff;
	_ =	sdelay $0x1  }
0x5b: {  	v2 =	vor.u32 $0x380, v2;
	_ =	sdelay $0x3  }
0x5c: {  	[tilespmem:s21+$0x9300] =	vst v3  }
0x5d: {  	v2 =	vld.idx.msk [tilespmem:v2+s12+$0x0], $0xffff  }
.Ltmp0:
0x5e: {  	(pc) =	sbr.rel @p0 .LBB2_3-.Ltmp0, $4  }
0x5f: {  	s21 =	sand.u32 $0x7, s19  }
0x60: {  	s21 =	sshll.u32 s21, $0x4  }
0x61: {  	s21 =	sadd.s32 s21, s17  }
0x62: {  	s21 =	sor.u32 $0x380, s21  }
0x63: {  	s15 =	sadd.s32 $0x1, s15  }
0x64: {  	p0 =	sne.s32 s15, $0x8  }
.Ltmp1:
0x65: {  	[tilespmem:s21+$0x9000] =	vst v2;
	s16 =	sadd.s32 s2, s16;
	(pc) =	sbr.rel @p0 .LBB2_2-.Ltmp1, $4  }
0x66: {  	[hbm4b:s16+s4] =	stream.linear.scatter [tilespmem:s13], [sflag:$0x1], $0x8000, $0x38;
	[tilespmem:$0x11000] =	vst v63  }
0x67: {  	_ =	swait.ge [sflag:s11], $0x8000  }
0x68: {  	[sflag:s11] =	ssyncset.done $0x0  }
0x69: {  	[sflag:s11] =	ssyncadd.s32 $0xFFFF8000  }
0x6a: {  	s14 =	sadd.s32 $0x1, s14  }
0x6b: {  	p0 =	sne.s32 s14, s8  }
.Ltmp2:
0x6c: {  	_ = 	snop;
	(pc) =	sbr.rel @p0 .LBB2_1-.Ltmp2, $1  }
0x6d: {  	_ =	sdelay $0x3  }
0x6e: {  	_ =	sfence.sel $0x180000  }
0x6f: {  	[bflag:$0x0] =	sbarrier.arrive $0xFFFF  }
0x70: {  	p0 =	sne.s32 s3, $0x0;
	_ =	strace $0x90000047  }
0x71: {  	s0 =	sadd.s32 @!p0 $0x100000, s0;
	[bflag:$0x2] =	sbarrier.arrive $0xFFFF  }
0x72: {  	[sflag:s0] =	ssyncadd.tile.s32 @!p0 $0x1;
	_ =	shalt  }
.Lfunc_end2:
_tile_overlayer_lowered:
.L_overlay_start_2:
0x73: {  	(tag) =	ssettag $0x2  }
0x74: {  	s0 =	rddreg [dreg:$0x0];
	s2 =	stileid.u32  }
0x75: {  	s1 =	rddreg [dreg:$0x1];
	p0 =	sne.s32 s2, $0x0  }
0x76: {  	s3 =	rddreg [dreg:$0x2];
	[bflag:$0x3] =	sbarrier.arrive $0xFFFF;
	s2 =	simm.s32 @!p0 $0x1C01  }
0x77: {  	[timem:s3], [sflag:s2] =	dma.local @!p0 [hbm:s0], s1  }
0x78: {  	s0 =	simm.s32 @!p0 $0x1  }
0x79: {  	_ =	swait.ge @!p0 [sflag:s0], s1  }
0x7a: {  	s1 =	ssub.s32 @!p0 $0x0, s1;
	[sflag:s0] =	ssyncset.done @!p0 $0x0  }
0x7b: {  	[sflag:s0] =	ssyncadd.s32 @!p0 s1  }
0x7c: {  	[bflag:$0x3] =	sbarrier.arrive $0xFFFF  }
0x7d: {  	_ =	shalt  }

</sc_bundles>
